<compile_context>
chip_gen: v7x
topology: tpu7x:2x2x1
jax: 0.10.2.dev20260603
libtpu: 0.0.44.dev20260713+nightly
codegen_flags: <defaults>
</compile_context>

<pallas_src>
import functools

import jax
import jax.numpy as jnp
from jax import lax
from jax.experimental import pallas as pl
from jax.experimental.pallas import tpu as pltpu
from jax.experimental.pallas import tpu_sc as plsc

_BN = 512
_BK = 2048


def _argmin_body(x_ref, cbt_ref, idx_ref, loss_ref, csq_ref, *, bk, nsteps, scale):
    i = pl.program_id(0)

    @pl.when(i == 0)
    def _init():
        cbt = cbt_ref[...]
        csq_ref[...] = jnp.sum(cbt * cbt, axis=0, keepdims=True)
        loss_ref[0, 0] = 0.0

    xb = x_ref[...]
    bn = xb.shape[0]
    xsq = jnp.sum(xb * xb, axis=1, keepdims=True)
    xb2 = -2.0 * xb
    k_total = nsteps * bk

    def chunk_min(j, carry):
        best, bidx = carry
        cbt_c = cbt_ref[:, pl.ds(j * bk, bk)]
        s2 = lax.dot_general(
            xb2, cbt_c, (((1,), (0,)), ((), ())),
            preferred_element_type=jnp.float32,
            precision=lax.Precision.DEFAULT,
        )
        e = (xsq + csq_ref[:, pl.ds(j * bk, bk)]) + s2
        m = jnp.min(e, axis=1, keepdims=True)
        iota = lax.broadcasted_iota(jnp.int32, (bn, bk), 1)
        li = jnp.min(jnp.where(e == m, iota, k_total), axis=1, keepdims=True) + j * bk
        upd = m < best
        return jnp.where(upd, m, best), jnp.where(upd, li, bidx)

    inf0 = jnp.full((bn, 1), jnp.inf, jnp.float32)
    zi = jnp.zeros((bn, 1), jnp.int32)
    carry = (inf0, zi)
    for j in range(nsteps):
        carry = chunk_min(j, carry)
    best, bidx = carry

    idx_ref[0, 0, :] = bidx[:, 0]
    loss_ref[0, 0] += jnp.sum(best) * scale


def _argmin_call(x, cbt):
    n, d = x.shape
    k = cbt.shape[1]
    nblk = n // _BN
    idx3, loss = pl.pallas_call(
        functools.partial(_argmin_body, bk=_BK, nsteps=k // _BK,
                          scale=1.0 / (n * d)),
        grid=(nblk,),
        in_specs=[
            pl.BlockSpec((_BN, d), lambda i: (i, 0)),
            pl.BlockSpec((d, k), lambda i: (0, 0)),
        ],
        out_specs=[
            pl.BlockSpec((1, 1, _BN), lambda i: (i, 0, 0)),
            pl.BlockSpec(memory_space=pltpu.SMEM, block_shape=(1, 1),
                         index_map=lambda i: (0, 0)),
        ],
        out_shape=[
            jax.ShapeDtypeStruct((nblk, 1, _BN), jnp.int32),
            jax.ShapeDtypeStruct((1, 1), jnp.float32),
        ],
        scratch_shapes=[pltpu.VMEM((1, k), jnp.float32)],
        compiler_params=pltpu.CompilerParams(
            dimension_semantics=("arbitrary",)),
    )(x, cbt)
    return idx3.reshape(n), loss[0, 0]


@functools.lru_cache(maxsize=None)
def _gather_make(v, d, b, ch):
    info = plsc.get_sparse_core_info()
    nw = info.num_cores * info.num_subcores
    b_per_w = b // nw
    nch = b_per_w // ch
    mesh = plsc.VectorSubcoreMesh(core_axis_name="c", subcore_axis_name="s")

    @functools.partial(
        pl.kernel, mesh=mesh,
        out_type=jax.ShapeDtypeStruct((b, d), jnp.float32),
        compiler_params=pltpu.CompilerParams(use_tc_tiling_on_sc=False),
        scratch_types=[
            pltpu.VMEM((ch,), jnp.int32),
            pltpu.VMEM((ch, d), jnp.float32),
            pltpu.SemaphoreType.DMA,
        ],
    )
    def gk(table_hbm, idx_hbm, out_hbm, idx_v, rows_v, sem):
        wid = lax.axis_index("s") * info.num_cores + lax.axis_index("c")
        base = wid * b_per_w
        for c in range(nch):
            o = base + c * ch
            pltpu.sync_copy(idx_hbm.at[pl.ds(o, ch)], idx_v)
            pltpu.async_copy(table_hbm.at[idx_v], rows_v, sem).wait()
            pltpu.sync_copy(rows_v, out_hbm.at[pl.ds(o, ch)])

    return gk


def kernel(x, codebook):
    n, d = x.shape
    indices, loss = _argmin_call(x, codebook.T)
    quantized_st = _gather_make(codebook.shape[0], d, n, 1024)(codebook, indices)
    return (quantized_st, indices, loss)

# --- scband reference (transcript-rebuilt; emitter-appended) ---
"""Pipeline reference for scband-vqcodebook-25142738551443 (READ-ONLY COPY).

The authoritative reference and input builder live on the scoring server;
editing this copy changes nothing except your own understanding.
"""

import jax, jax.numpy as jnp
import numpy as np

CODEBOOK_SIZE = 8192
GROUP_SIZE = 64
NUM_GROUPS = 131072


def setup_inputs(seed: int = 0) -> dict:
    key = jax.random.key(seed)
    kx, kc = jax.random.split(key)
    x = jax.random.normal(kx, (NUM_GROUPS, GROUP_SIZE), dtype=jnp.float32)
    codebook = jax.random.normal(kc, (CODEBOOK_SIZE, GROUP_SIZE), dtype=jnp.float32) * 0.02
    return {"x": x, "codebook": codebook}


def reference(x, codebook):
    # Faithful translation of VQCodebook.quantize
    # dists[n, k] = ||x_n||^2 + ||c_k||^2 - 2 x_n . c_k
    dists = (x ** 2).sum(axis=-1, keepdims=True) + (codebook ** 2).sum(axis=-1) - 2.0 * (x @ codebook.T)
    indices = jnp.argmin(dists, axis=-1)
    quantized = jnp.take(codebook, indices, axis=0)
    commit_loss = jnp.mean((jax.lax.stop_gradient(x) - quantized) ** 2)
    quantized_st = x + jax.lax.stop_gradient(quantized - x)
    return (quantized_st, indices, commit_loss)

if __name__ == "__main__":
    import jax
    _d = setup_inputs()
    print(jax.jit(kernel)(*tuple(_d.values())))

</pallas_src>

<mosaic_0001>
#map = affine_map<(d0, d1) -> (0, 0)>
#map1 = affine_map<(d0, d1) -> (0)>
module attributes {stable_mosaic.version = 14 : i64} {
  func.func @gk(%arg0: i32, %arg1: i32, %arg2: memref<8192x64xf32, #tpu.memory_space<hbm>>, %arg3: memref<131072xi32, #tpu.memory_space<hbm>>, %arg4: memref<131072x64xf32, #tpu.memory_space<hbm>>, %arg5: memref<1024xi32, #tpu.memory_space<vmem>>, %arg6: memref<1024x64xf32, #tpu.memory_space<vmem>>, %arg7: memref<!tpu.dma_semaphore, #tpu.memory_space<semaphore_mem>>) attributes {dimension_semantics = [#tpu.dimension_semantics<core_parallel>, #tpu.dimension_semantics<subcore_parallel>], iteration_bounds = array<i64: 2, 16>, scalar_prefetch = 0 : i64, scratch_operands = 3 : i64, tpu.core_type = #tpu.core_type<sc_vector_subcore>, window_params = [{transform_indices = #map}, {transform_indices = #map1}, {transform_indices = #map}]} {
    %mul3A = arith.constant 2 : i32
    %mul3A_0 = arith.muli %arg1, %mul3A : i32
    %add3A = arith.addi %mul3A_0, %arg0 : i32
    %mul3A_1 = arith.constant 4096 : i32
    %mul3A_2 = arith.muli %add3A, %mul3A_1 : i32
    %add3A_3 = arith.constant 0 : i32
    %add3A_4 = arith.addi %mul3A_2, %add3A_3 : i32
    "tpu.region"() ({
      %run_scoped3A = tpu.sem_alloc : memref<!tpu.dma_semaphore, #tpu.memory_space<semaphore_mem>>
      %dma_start3A_33 = tpu.memref_slice %arg3[%add3A_4] : memref<131072xi32, #tpu.memory_space<hbm>> -> memref<1024xi32, #tpu.memory_space<hbm>>
      %dma_start3A_34 = tpu.memref_slice %arg3[%add3A_4] : memref<131072xi32, #tpu.memory_space<hbm>> -> memref<1024xi32, #tpu.memory_space<hbm>>
      tpu.enqueue_dma source(%dma_start3A_34 : memref<1024xi32, #tpu.memory_space<hbm>>) target(%arg5 : memref<1024xi32, #tpu.memory_space<vmem>>) target_semaphore(%run_scoped3A : memref<!tpu.dma_semaphore, #tpu.memory_space<semaphore_mem>>)
      %dma_wait3A_35 = tpu.memref_slice %arg3[%add3A_4] : memref<131072xi32, #tpu.memory_space<hbm>> -> memref<1024xi32, #tpu.memory_space<hbm>>
      %dma_wait3A_36 = tpu.memref_slice %arg3[%add3A_4] : memref<131072xi32, #tpu.memory_space<hbm>> -> memref<1024xi32, #tpu.memory_space<hbm>>
      tpu.wait_dma2 semaphore(%run_scoped3A : memref<!tpu.dma_semaphore, #tpu.memory_space<semaphore_mem>>) src(%dma_wait3A_36 : memref<1024xi32, #tpu.memory_space<hbm>>) dst(%arg5 : memref<1024xi32, #tpu.memory_space<vmem>>)
      tpu.yield
    }) : () -> ()
    %dma_start3A = arith.constant 0 : i32
    %dma_start3A_5 = arith.constant 0 : i32
    %dma_start3A_6 = tpu.memref_slice %arg2[%dma_start3A, %dma_start3A_5] : memref<8192x64xf32, #tpu.memory_space<hbm>> -> memref<8192x64xf32, #tpu.memory_space<hbm>>
    tpu.enqueue_indirect_dma source(%dma_start3A_6 : memref<8192x64xf32, #tpu.memory_space<hbm>>) target(%arg6 : memref<1024x64xf32, #tpu.memory_space<vmem>>) offsets(%arg5 : memref<1024xi32, #tpu.memory_space<vmem>>) semaphore(%arg7 : memref<!tpu.dma_semaphore, #tpu.memory_space<semaphore_mem>>)
    %dma_wait3A = arith.constant 0 : i32
    %dma_wait3A_7 = arith.constant 0 : i32
    %dma_wait3A_8 = tpu.memref_slice %arg2[%dma_wait3A, %dma_wait3A_7] : memref<8192x64xf32, #tpu.memory_space<hbm>> -> memref<8192x64xf32, #tpu.memory_space<hbm>>
    tpu.wait_indirect_dma semaphore(%arg7 : memref<!tpu.dma_semaphore, #tpu.memory_space<semaphore_mem>>) src(%dma_wait3A_8 : memref<8192x64xf32, #tpu.memory_space<hbm>>) dst(%arg6 : memref<1024x64xf32, #tpu.memory_space<vmem>>)
    "tpu.region"() ({
      %run_scoped3A = tpu.sem_alloc : memref<!tpu.dma_semaphore, #tpu.memory_space<semaphore_mem>>
      %dma_start3A_33 = arith.constant 0 : i32
      %dma_start3A_34 = tpu.memref_slice %arg4[%add3A_4, %dma_start3A_33] : memref<131072x64xf32, #tpu.memory_space<hbm>> -> memref<1024x64xf32, #tpu.memory_space<hbm>>
      %dma_start3A_35 = arith.constant 0 : i32
      %dma_start3A_36 = tpu.memref_slice %arg4[%add3A_4, %dma_start3A_35] : memref<131072x64xf32, #tpu.memory_space<hbm>> -> memref<1024x64xf32, #tpu.memory_space<hbm>>
      tpu.enqueue_dma source(%arg6 : memref<1024x64xf32, #tpu.memory_space<vmem>>) target(%dma_start3A_36 : memref<1024x64xf32, #tpu.memory_space<hbm>>) target_semaphore(%run_scoped3A : memref<!tpu.dma_semaphore, #tpu.memory_space<semaphore_mem>>)
      %dma_wait3A_37 = arith.constant 0 : i32
      %dma_wait3A_38 = tpu.memref_slice %arg4[%add3A_4, %dma_wait3A_37] : memref<131072x64xf32, #tpu.memory_space<hbm>> -> memref<1024x64xf32, #tpu.memory_space<hbm>>
      %dma_wait3A_39 = arith.constant 0 : i32
      %dma_wait3A_40 = tpu.memref_slice %arg4[%add3A_4, %dma_wait3A_39] : memref<131072x64xf32, #tpu.memory_space<hbm>> -> memref<1024x64xf32, #tpu.memory_space<hbm>>
      tpu.wait_dma2 semaphore(%run_scoped3A : memref<!tpu.dma_semaphore, #tpu.memory_space<semaphore_mem>>) src(%arg6 : memref<1024x64xf32, #tpu.memory_space<vmem>>) dst(%dma_wait3A_40 : memref<1024x64xf32, #tpu.memory_space<hbm>>)
      tpu.yield
    }) : () -> ()
    %add3A_9 = arith.constant 1024 : i32
    %add3A_10 = arith.addi %mul3A_2, %add3A_9 : i32
    "tpu.region"() ({
      %run_scoped3A = tpu.sem_alloc : memref<!tpu.dma_semaphore, #tpu.memory_space<semaphore_mem>>
      %dma_start3A_33 = tpu.memref_slice %arg3[%add3A_10] : memref<131072xi32, #tpu.memory_space<hbm>> -> memref<1024xi32, #tpu.memory_space<hbm>>
      %dma_start3A_34 = tpu.memref_slice %arg3[%add3A_10] : memref<131072xi32, #tpu.memory_space<hbm>> -> memref<1024xi32, #tpu.memory_space<hbm>>
      tpu.enqueue_dma source(%dma_start3A_34 : memref<1024xi32, #tpu.memory_space<hbm>>) target(%arg5 : memref<1024xi32, #tpu.memory_space<vmem>>) target_semaphore(%run_scoped3A : memref<!tpu.dma_semaphore, #tpu.memory_space<semaphore_mem>>)
      %dma_wait3A_35 = tpu.memref_slice %arg3[%add3A_10] : memref<131072xi32, #tpu.memory_space<hbm>> -> memref<1024xi32, #tpu.memory_space<hbm>>
      %dma_wait3A_36 = tpu.memref_slice %arg3[%add3A_10] : memref<131072xi32, #tpu.memory_space<hbm>> -> memref<1024xi32, #tpu.memory_space<hbm>>
      tpu.wait_dma2 semaphore(%run_scoped3A : memref<!tpu.dma_semaphore, #tpu.memory_space<semaphore_mem>>) src(%dma_wait3A_36 : memref<1024xi32, #tpu.memory_space<hbm>>) dst(%arg5 : memref<1024xi32, #tpu.memory_space<vmem>>)
      tpu.yield
    }) : () -> ()
    %dma_start3A_11 = arith.constant 0 : i32
    %dma_start3A_12 = arith.constant 0 : i32
    %dma_start3A_13 = tpu.memref_slice %arg2[%dma_start3A_11, %dma_start3A_12] : memref<8192x64xf32, #tpu.memory_space<hbm>> -> memref<8192x64xf32, #tpu.memory_space<hbm>>
    tpu.enqueue_indirect_dma source(%dma_start3A_13 : memref<8192x64xf32, #tpu.memory_space<hbm>>) target(%arg6 : memref<1024x64xf32, #tpu.memory_space<vmem>>) offsets(%arg5 : memref<1024xi32, #tpu.memory_space<vmem>>) semaphore(%arg7 : memref<!tpu.dma_semaphore, #tpu.memory_space<semaphore_mem>>)
    %dma_wait3A_14 = arith.constant 0 : i32
    %dma_wait3A_15 = arith.constant 0 : i32
    %dma_wait3A_16 = tpu.memref_slice %arg2[%dma_wait3A_14, %dma_wait3A_15] : memref<8192x64xf32, #tpu.memory_space<hbm>> -> memref<8192x64xf32, #tpu.memory_space<hbm>>
    tpu.wait_indirect_dma semaphore(%arg7 : memref<!tpu.dma_semaphore, #tpu.memory_space<semaphore_mem>>) src(%dma_wait3A_16 : memref<8192x64xf32, #tpu.memory_space<hbm>>) dst(%arg6 : memref<1024x64xf32, #tpu.memory_space<vmem>>)
    "tpu.region"() ({
      %run_scoped3A = tpu.sem_alloc : memref<!tpu.dma_semaphore, #tpu.memory_space<semaphore_mem>>
      %dma_start3A_33 = arith.constant 0 : i32
      %dma_start3A_34 = tpu.memref_slice %arg4[%add3A_10, %dma_start3A_33] : memref<131072x64xf32, #tpu.memory_space<hbm>> -> memref<1024x64xf32, #tpu.memory_space<hbm>>
      %dma_start3A_35 = arith.constant 0 : i32
      %dma_start3A_36 = tpu.memref_slice %arg4[%add3A_10, %dma_start3A_35] : memref<131072x64xf32, #tpu.memory_space<hbm>> -> memref<1024x64xf32, #tpu.memory_space<hbm>>
      tpu.enqueue_dma source(%arg6 : memref<1024x64xf32, #tpu.memory_space<vmem>>) target(%dma_start3A_36 : memref<1024x64xf32, #tpu.memory_space<hbm>>) target_semaphore(%run_scoped3A : memref<!tpu.dma_semaphore, #tpu.memory_space<semaphore_mem>>)
      %dma_wait3A_37 = arith.constant 0 : i32
      %dma_wait3A_38 = tpu.memref_slice %arg4[%add3A_10, %dma_wait3A_37] : memref<131072x64xf32, #tpu.memory_space<hbm>> -> memref<1024x64xf32, #tpu.memory_space<hbm>>
      %dma_wait3A_39 = arith.constant 0 : i32
      %dma_wait3A_40 = tpu.memref_slice %arg4[%add3A_10, %dma_wait3A_39] : memref<131072x64xf32, #tpu.memory_space<hbm>> -> memref<1024x64xf32, #tpu.memory_space<hbm>>
      tpu.wait_dma2 semaphore(%run_scoped3A : memref<!tpu.dma_semaphore, #tpu.memory_space<semaphore_mem>>) src(%arg6 : memref<1024x64xf32, #tpu.memory_space<vmem>>) dst(%dma_wait3A_40 : memref<1024x64xf32, #tpu.memory_space<hbm>>)
      tpu.yield
    }) : () -> ()
    %add3A_17 = arith.constant 2048 : i32
    %add3A_18 = arith.addi %mul3A_2, %add3A_17 : i32
    "tpu.region"() ({
      %run_scoped3A = tpu.sem_alloc : memref<!tpu.dma_semaphore, #tpu.memory_space<semaphore_mem>>
      %dma_start3A_33 = tpu.memref_slice %arg3[%add3A_18] : memref<131072xi32, #tpu.memory_space<hbm>> -> memref<1024xi32, #tpu.memory_space<hbm>>
      %dma_start3A_34 = tpu.memref_slice %arg3[%add3A_18] : memref<131072xi32, #tpu.memory_space<hbm>> -> memref<1024xi32, #tpu.memory_space<hbm>>
      tpu.enqueue_dma source(%dma_start3A_34 : memref<1024xi32, #tpu.memory_space<hbm>>) target(%arg5 : memref<1024xi32, #tpu.memory_space<vmem>>) target_semaphore(%run_scoped3A : memref<!tpu.dma_semaphore, #tpu.memory_space<semaphore_mem>>)
      %dma_wait3A_35 = tpu.memref_slice %arg3[%add3A_18] : memref<131072xi32, #tpu.memory_space<hbm>> -> memref<1024xi32, #tpu.memory_space<hbm>>
      %dma_wait3A_36 = tpu.memref_slice %arg3[%add3A_18] : memref<131072xi32, #tpu.memory_space<hbm>> -> memref<1024xi32, #tpu.memory_space<hbm>>
      tpu.wait_dma2 semaphore(%run_scoped3A : memref<!tpu.dma_semaphore, #tpu.memory_space<semaphore_mem>>) src(%dma_wait3A_36 : memref<1024xi32, #tpu.memory_space<hbm>>) dst(%arg5 : memref<1024xi32, #tpu.memory_space<vmem>>)
      tpu.yield
    }) : () -> ()
    %dma_start3A_19 = arith.constant 0 : i32
    %dma_start3A_20 = arith.constant 0 : i32
    %dma_start3A_21 = tpu.memref_slice %arg2[%dma_start3A_19, %dma_start3A_20] : memref<8192x64xf32, #tpu.memory_space<hbm>> -> memref<8192x64xf32, #tpu.memory_space<hbm>>
    tpu.enqueue_indirect_dma source(%dma_start3A_21 : memref<8192x64xf32, #tpu.memory_space<hbm>>) target(%arg6 : memref<1024x64xf32, #tpu.memory_space<vmem>>) offsets(%arg5 : memref<1024xi32, #tpu.memory_space<vmem>>) semaphore(%arg7 : memref<!tpu.dma_semaphore, #tpu.memory_space<semaphore_mem>>)
    %dma_wait3A_22 = arith.constant 0 : i32
    %dma_wait3A_23 = arith.constant 0 : i32
    %dma_wait3A_24 = tpu.memref_slice %arg2[%dma_wait3A_22, %dma_wait3A_23] : memref<8192x64xf32, #tpu.memory_space<hbm>> -> memref<8192x64xf32, #tpu.memory_space<hbm>>
    tpu.wait_indirect_dma semaphore(%arg7 : memref<!tpu.dma_semaphore, #tpu.memory_space<semaphore_mem>>) src(%dma_wait3A_24 : memref<8192x64xf32, #tpu.memory_space<hbm>>) dst(%arg6 : memref<1024x64xf32, #tpu.memory_space<vmem>>)
    "tpu.region"() ({
      %run_scoped3A = tpu.sem_alloc : memref<!tpu.dma_semaphore, #tpu.memory_space<semaphore_mem>>
      %dma_start3A_33 = arith.constant 0 : i32
      %dma_start3A_34 = tpu.memref_slice %arg4[%add3A_18, %dma_start3A_33] : memref<131072x64xf32, #tpu.memory_space<hbm>> -> memref<1024x64xf32, #tpu.memory_space<hbm>>
      %dma_start3A_35 = arith.constant 0 : i32
      %dma_start3A_36 = tpu.memref_slice %arg4[%add3A_18, %dma_start3A_35] : memref<131072x64xf32, #tpu.memory_space<hbm>> -> memref<1024x64xf32, #tpu.memory_space<hbm>>
      tpu.enqueue_dma source(%arg6 : memref<1024x64xf32, #tpu.memory_space<vmem>>) target(%dma_start3A_36 : memref<1024x64xf32, #tpu.memory_space<hbm>>) target_semaphore(%run_scoped3A : memref<!tpu.dma_semaphore, #tpu.memory_space<semaphore_mem>>)
      %dma_wait3A_37 = arith.constant 0 : i32
      %dma_wait3A_38 = tpu.memref_slice %arg4[%add3A_18, %dma_wait3A_37] : memref<131072x64xf32, #tpu.memory_space<hbm>> -> memref<1024x64xf32, #tpu.memory_space<hbm>>
      %dma_wait3A_39 = arith.constant 0 : i32
      %dma_wait3A_40 = tpu.memref_slice %arg4[%add3A_18, %dma_wait3A_39] : memref<131072x64xf32, #tpu.memory_space<hbm>> -> memref<1024x64xf32, #tpu.memory_space<hbm>>
      tpu.wait_dma2 semaphore(%run_scoped3A : memref<!tpu.dma_semaphore, #tpu.memory_space<semaphore_mem>>) src(%arg6 : memref<1024x64xf32, #tpu.memory_space<vmem>>) dst(%dma_wait3A_40 : memref<1024x64xf32, #tpu.memory_space<hbm>>)
      tpu.yield
    }) : () -> ()
    %add3A_25 = arith.constant 3072 : i32
    %add3A_26 = arith.addi %mul3A_2, %add3A_25 : i32
    "tpu.region"() ({
      %run_scoped3A = tpu.sem_alloc : memref<!tpu.dma_semaphore, #tpu.memory_space<semaphore_mem>>
      %dma_start3A_33 = tpu.memref_slice %arg3[%add3A_26] : memref<131072xi32, #tpu.memory_space<hbm>> -> memref<1024xi32, #tpu.memory_space<hbm>>
      %dma_start3A_34 = tpu.memref_slice %arg3[%add3A_26] : memref<131072xi32, #tpu.memory_space<hbm>> -> memref<1024xi32, #tpu.memory_space<hbm>>
      tpu.enqueue_dma source(%dma_start3A_34 : memref<1024xi32, #tpu.memory_space<hbm>>) target(%arg5 : memref<1024xi32, #tpu.memory_space<vmem>>) target_semaphore(%run_scoped3A : memref<!tpu.dma_semaphore, #tpu.memory_space<semaphore_mem>>)
      %dma_wait3A_35 = tpu.memref_slice %arg3[%add3A_26] : memref<131072xi32, #tpu.memory_space<hbm>> -> memref<1024xi32, #tpu.memory_space<hbm>>
      %dma_wait3A_36 = tpu.memref_slice %arg3[%add3A_26] : memref<131072xi32, #tpu.memory_space<hbm>> -> memref<1024xi32, #tpu.memory_space<hbm>>
      tpu.wait_dma2 semaphore(%run_scoped3A : memref<!tpu.dma_semaphore, #tpu.memory_space<semaphore_mem>>) src(%dma_wait3A_36 : memref<1024xi32, #tpu.memory_space<hbm>>) dst(%arg5 : memref<1024xi32, #tpu.memory_space<vmem>>)
      tpu.yield
    }) : () -> ()
    %dma_start3A_27 = arith.constant 0 : i32
    %dma_start3A_28 = arith.constant 0 : i32
    %dma_start3A_29 = tpu.memref_slice %arg2[%dma_start3A_27, %dma_start3A_28] : memref<8192x64xf32, #tpu.memory_space<hbm>> -> memref<8192x64xf32, #tpu.memory_space<hbm>>
    tpu.enqueue_indirect_dma source(%dma_start3A_29 : memref<8192x64xf32, #tpu.memory_space<hbm>>) target(%arg6 : memref<1024x64xf32, #tpu.memory_space<vmem>>) offsets(%arg5 : memref<1024xi32, #tpu.memory_space<vmem>>) semaphore(%arg7 : memref<!tpu.dma_semaphore, #tpu.memory_space<semaphore_mem>>)
    %dma_wait3A_30 = arith.constant 0 : i32
    %dma_wait3A_31 = arith.constant 0 : i32
    %dma_wait3A_32 = tpu.memref_slice %arg2[%dma_wait3A_30, %dma_wait3A_31] : memref<8192x64xf32, #tpu.memory_space<hbm>> -> memref<8192x64xf32, #tpu.memory_space<hbm>>
    tpu.wait_indirect_dma semaphore(%arg7 : memref<!tpu.dma_semaphore, #tpu.memory_space<semaphore_mem>>) src(%dma_wait3A_32 : memref<8192x64xf32, #tpu.memory_space<hbm>>) dst(%arg6 : memref<1024x64xf32, #tpu.memory_space<vmem>>)
    "tpu.region"() ({
      %run_scoped3A = tpu.sem_alloc : memref<!tpu.dma_semaphore, #tpu.memory_space<semaphore_mem>>
      %dma_start3A_33 = arith.constant 0 : i32
      %dma_start3A_34 = tpu.memref_slice %arg4[%add3A_26, %dma_start3A_33] : memref<131072x64xf32, #tpu.memory_space<hbm>> -> memref<1024x64xf32, #tpu.memory_space<hbm>>
      %dma_start3A_35 = arith.constant 0 : i32
      %dma_start3A_36 = tpu.memref_slice %arg4[%add3A_26, %dma_start3A_35] : memref<131072x64xf32, #tpu.memory_space<hbm>> -> memref<1024x64xf32, #tpu.memory_space<hbm>>
      tpu.enqueue_dma source(%arg6 : memref<1024x64xf32, #tpu.memory_space<vmem>>) target(%dma_start3A_36 : memref<1024x64xf32, #tpu.memory_space<hbm>>) target_semaphore(%run_scoped3A : memref<!tpu.dma_semaphore, #tpu.memory_space<semaphore_mem>>)
      %dma_wait3A_37 = arith.constant 0 : i32
      %dma_wait3A_38 = tpu.memref_slice %arg4[%add3A_26, %dma_wait3A_37] : memref<131072x64xf32, #tpu.memory_space<hbm>> -> memref<1024x64xf32, #tpu.memory_space<hbm>>
      %dma_wait3A_39 = arith.constant 0 : i32
      %dma_wait3A_40 = tpu.memref_slice %arg4[%add3A_26, %dma_wait3A_39] : memref<131072x64xf32, #tpu.memory_space<hbm>> -> memref<1024x64xf32, #tpu.memory_space<hbm>>
      tpu.wait_dma2 semaphore(%run_scoped3A : memref<!tpu.dma_semaphore, #tpu.memory_space<semaphore_mem>>) src(%arg6 : memref<1024x64xf32, #tpu.memory_space<vmem>>) dst(%dma_wait3A_40 : memref<1024x64xf32, #tpu.memory_space<hbm>>)
      tpu.yield
    }) : () -> ()
    return
  }
}

module attributes {stable_mosaic.version = 14 : i64} {
  func.func @_argmin_body(%arg0: i32, %arg1: memref<512x64xf32, #tpu.memory_space<vmem>>, %arg2: memref<64x8192xf32, #tpu.memory_space<vmem>>, %arg3: memref<1x1x512xi32, #tpu.memory_space<vmem>>, %arg4: memref<1x1xf32, #tpu.memory_space<smem>>, %arg5: memref<1x8192xf32, #tpu.memory_space<vmem>>) attributes {dimension_semantics = [#tpu.dimension_semantics<arbitrary>], iteration_bounds = array<i64: 256>, scalar_prefetch = 0 : i64, scratch_operands = 1 : i64, tpu.core_type = #tpu.core_type<tc>, window_params = [{transform_indices = @transform_0, window_bounds = array<i64: 512, 64>}, {pipeline_mode = #tpu.pipeline_mode<synchronous>, transform_indices = @transform_1, window_bounds = array<i64: 64, 8192>}, {transform_indices = @transform_2, window_bounds = array<i64: 1, 1, 512>}, {transform_indices = @transform_3, window_bounds = array<i64: 1, 1>}]} {
    %eq3A = arith.constant 0 : i32
    %eq3A_0 = arith.cmpi eq, %arg0, %eq3A : i32
    %convert_element_type3A = arith.extui %eq3A_0 : i1 to i32
    %cond3A = arith.constant 0 : i32
    %cond3A_1 = arith.cmpi ne, %convert_element_type3A, %cond3A : i32
    scf.if %cond3A_1 {
      %get3A_144 = arith.constant 0 : index
      %get3A_145 = arith.constant 0 : index
      %get3A_146 = vector.load %arg2[%get3A_144, %get3A_145] : memref<64x8192xf32, #tpu.memory_space<vmem>>, vector<64x8192xf32>
      %mul3A_147 = arith.mulf %get3A_146, %get3A_146 : vector<64x8192xf32>
      %reduce_sum3A_148 = arith.constant dense<0.000000e+00> : vector<8192xf32>
      %reduce_sum3A_149 = vector.multi_reduction <add>, %mul3A_147, %reduce_sum3A_148 [0] : vector<64x8192xf32> to vector<8192xf32>
      %broadcast_in_dim3A_150 = vector.shape_cast %reduce_sum3A_149 : vector<8192xf32> to vector<1x8192xf32>
      %swap3A_151 = arith.constant 0 : index
      %swap3A_152 = arith.constant 0 : index
      %swap3A_153 = vector.load %arg5[%swap3A_151, %swap3A_152] : memref<1x8192xf32, #tpu.memory_space<vmem>>, vector<1x8192xf32>
      tpu.vector_store %arg5[%swap3A_151, %swap3A_152], %broadcast_in_dim3A_150 {strides = array<i32>} : memref<1x8192xf32, #tpu.memory_space<vmem>>, vector<1x8192xf32>,
      %swap3A_154 = arith.constant 0.000000e+00 : f32
      %swap3A_155 = arith.constant 0 : index
      %swap3A_156 = arith.constant 0 : index
      %swap3A_157 = memref.load %arg4[%swap3A_155, %swap3A_156] : memref<1x1xf32, #tpu.memory_space<smem>>
      memref.store %swap3A_154, %arg4[%swap3A_155, %swap3A_156] : memref<1x1xf32, #tpu.memory_space<smem>>
    } else {
    }
    %get3A = arith.constant 0 : index
    %get3A_2 = arith.constant 0 : index
    %get3A_3 = vector.load %arg1[%get3A, %get3A_2] : memref<512x64xf32, #tpu.memory_space<vmem>>, vector<512x64xf32>
    %mul3A = arith.mulf %get3A_3, %get3A_3 : vector<512x64xf32>
    %reduce_sum3A = arith.constant dense<0.000000e+00> : vector<512xf32>
    %reduce_sum3A_4 = vector.multi_reduction <add>, %mul3A, %reduce_sum3A [1] : vector<512x64xf32> to vector<512xf32>
    %broadcast_in_dim3A = vector.shape_cast %reduce_sum3A_4 : vector<512xf32> to vector<512x1xf32>
    %mul3A_5 = arith.constant -2.000000e+00 : f32
    %mul3A_6 = vector.broadcast %mul3A_5 : f32 to vector<512x64xf32>
    %mul3A_7 = arith.mulf %mul3A_6, %get3A_3 : vector<512x64xf32>
    %broadcast_in_dim3A_8 = arith.constant 0x7F800000 : f32
    %broadcast_in_dim3A_9 = vector.broadcast %broadcast_in_dim3A_8 : f32 to vector<512x1xf32>
    %broadcast_in_dim3A_10 = arith.constant 0 : i32
    %broadcast_in_dim3A_11 = vector.broadcast %broadcast_in_dim3A_10 : i32 to vector<512x1xi32>
    %get3A_12 = arith.constant 0 : index
    %get3A_13 = arith.constant 0 : index
    %get3A_14 = vector.load %arg2[%get3A_12, %get3A_13] : memref<64x8192xf32, #tpu.memory_space<vmem>>, vector<64x2048xf32>
    %dot_general3A = arith.constant dense<0.000000e+00> : vector<512x2048xf32>
    %dot_general3A_15 = tpu.matmul %mul3A_7, %get3A_14, %dot_general3A {dimension_numbers = #tpu.dot_dimension_numbers<[1], [0], [0], [1], [0, 0, 1, 1], [], []>, transpose_lhs_hint = false} : vector<512x64xf32>, vector<64x2048xf32>, vector<512x2048xf32> -> vector<512x2048xf32>
    %get3A_16 = arith.constant 0 : index
    %get3A_17 = arith.constant 0 : index
    %get3A_18 = vector.load %arg5[%get3A_16, %get3A_17] : memref<1x8192xf32, #tpu.memory_space<vmem>>, vector<1x2048xf32>
    %add3A = vector.broadcast %broadcast_in_dim3A : vector<512x1xf32> to vector<512x2048xf32>
    %add3A_19 = vector.broadcast %get3A_18 : vector<1x2048xf32> to vector<512x2048xf32>
    %add3A_20 = arith.addf %add3A, %add3A_19 : vector<512x2048xf32>
    %add3A_21 = arith.addf %add3A_20, %dot_general3A_15 : vector<512x2048xf32>
    %reduce_min3A = arith.constant dense<0x7F800000> : vector<512xf32>
    %reduce_min3A_22 = vector.multi_reduction <minimumf>, %add3A_21, %reduce_min3A [1] : vector<512x2048xf32> to vector<512xf32>
    %broadcast_in_dim3A_23 = vector.shape_cast %reduce_min3A_22 : vector<512xf32> to vector<512x1xf32>
    %iota3A = tpu.iota {dimensions = array<i32: 1>} : vector<512x2048xi32>
    %eq3A_24 = vector.broadcast %broadcast_in_dim3A_23 : vector<512x1xf32> to vector<512x2048xf32>
    %eq3A_25 = arith.cmpf oeq, %add3A_21, %eq3A_24 : vector<512x2048xf32>
    %jit3A = arith.constant 8192 : i32
    %broadcast_in_dim3A_26 = vector.broadcast %jit3A : i32 to vector<512x2048xi32>
    %select_n3A = arith.select %eq3A_25, %iota3A, %broadcast_in_dim3A_26 : vector<512x2048xi1>, vector<512x2048xi32>
    %reduce_min3A_27 = arith.constant dense<2147483647> : vector<512xi32>
    %reduce_min3A_28 = vector.multi_reduction <minsi>, %select_n3A, %reduce_min3A_27 [1] : vector<512x2048xi32> to vector<512xi32>
    %broadcast_in_dim3A_29 = vector.shape_cast %reduce_min3A_28 : vector<512xi32> to vector<512x1xi32>
    %add3A_30 = arith.constant 0 : i32
    %add3A_31 = vector.broadcast %add3A_30 : i32 to vector<512x1xi32>
    %add3A_32 = arith.addi %broadcast_in_dim3A_29, %add3A_31 : vector<512x1xi32>
    %lt3A = arith.cmpf olt, %broadcast_in_dim3A_23, %broadcast_in_dim3A_9 : vector<512x1xf32>
    %select_n3A_33 = arith.select %lt3A, %broadcast_in_dim3A_23, %broadcast_in_dim3A_9 : vector<512x1xi1>, vector<512x1xf32>
    %select_n3A_34 = arith.select %lt3A, %add3A_32, %broadcast_in_dim3A_11 : vector<512x1xi1>, vector<512x1xi32>
    %get3A_35 = arith.constant 0 : index
    %get3A_36 = arith.constant 2048 : index
    %get3A_37 = vector.load %arg2[%get3A_35, %get3A_36] : memref<64x8192xf32, #tpu.memory_space<vmem>>, vector<64x2048xf32>
    %dot_general3A_38 = arith.constant dense<0.000000e+00> : vector<512x2048xf32>
    %dot_general3A_39 = tpu.matmul %mul3A_7, %get3A_37, %dot_general3A_38 {dimension_numbers = #tpu.dot_dimension_numbers<[1], [0], [0], [1], [0, 0, 1, 1], [], []>, transpose_lhs_hint = false} : vector<512x64xf32>, vector<64x2048xf32>, vector<512x2048xf32> -> vector<512x2048xf32>
    %get3A_40 = arith.constant 0 : index
    %get3A_41 = arith.constant 2048 : index
    %get3A_42 = vector.load %arg5[%get3A_40, %get3A_41] : memref<1x8192xf32, #tpu.memory_space<vmem>>, vector<1x2048xf32>
    %add3A_43 = vector.broadcast %broadcast_in_dim3A : vector<512x1xf32> to vector<512x2048xf32>
    %add3A_44 = vector.broadcast %get3A_42 : vector<1x2048xf32> to vector<512x2048xf32>
    %add3A_45 = arith.addf %add3A_43, %add3A_44 : vector<512x2048xf32>
    %add3A_46 = arith.addf %add3A_45, %dot_general3A_39 : vector<512x2048xf32>
    %reduce_min3A_47 = arith.constant dense<0x7F800000> : vector<512xf32>
    %reduce_min3A_48 = vector.multi_reduction <minimumf>, %add3A_46, %reduce_min3A_47 [1] : vector<512x2048xf32> to vector<512xf32>
    %broadcast_in_dim3A_49 = vector.shape_cast %reduce_min3A_48 : vector<512xf32> to vector<512x1xf32>
    %iota3A_50 = tpu.iota {dimensions = array<i32: 1>} : vector<512x2048xi32>
    %eq3A_51 = vector.broadcast %broadcast_in_dim3A_49 : vector<512x1xf32> to vector<512x2048xf32>
    %eq3A_52 = arith.cmpf oeq, %add3A_46, %eq3A_51 : vector<512x2048xf32>
    %jit3A_53 = arith.constant 8192 : i32
    %broadcast_in_dim3A_54 = vector.broadcast %jit3A_53 : i32 to vector<512x2048xi32>
    %select_n3A_55 = arith.select %eq3A_52, %iota3A_50, %broadcast_in_dim3A_54 : vector<512x2048xi1>, vector<512x2048xi32>
    %reduce_min3A_56 = arith.constant dense<2147483647> : vector<512xi32>
    %reduce_min3A_57 = vector.multi_reduction <minsi>, %select_n3A_55, %reduce_min3A_56 [1] : vector<512x2048xi32> to vector<512xi32>
    %broadcast_in_dim3A_58 = vector.shape_cast %reduce_min3A_57 : vector<512xi32> to vector<512x1xi32>
    %add3A_59 = arith.constant 2048 : i32
    %add3A_60 = vector.broadcast %add3A_59 : i32 to vector<512x1xi32>
    %add3A_61 = arith.addi %broadcast_in_dim3A_58, %add3A_60 : vector<512x1xi32>
    %lt3A_62 = arith.cmpf olt, %broadcast_in_dim3A_49, %select_n3A_33 : vector<512x1xf32>
    %select_n3A_63 = arith.select %lt3A_62, %broadcast_in_dim3A_49, %select_n3A_33 : vector<512x1xi1>, vector<512x1xf32>
    %select_n3A_64 = arith.select %lt3A_62, %add3A_61, %select_n3A_34 : vector<512x1xi1>, vector<512x1xi32>
    %get3A_65 = arith.constant 0 : index
    %get3A_66 = arith.constant 4096 : index
    %get3A_67 = vector.load %arg2[%get3A_65, %get3A_66] : memref<64x8192xf32, #tpu.memory_space<vmem>>, vector<64x2048xf32>
    %dot_general3A_68 = arith.constant dense<0.000000e+00> : vector<512x2048xf32>
    %dot_general3A_69 = tpu.matmul %mul3A_7, %get3A_67, %dot_general3A_68 {dimension_numbers = #tpu.dot_dimension_numbers<[1], [0], [0], [1], [0, 0, 1, 1], [], []>, transpose_lhs_hint = false} : vector<512x64xf32>, vector<64x2048xf32>, vector<512x2048xf32> -> vector<512x2048xf32>
    %get3A_70 = arith.constant 0 : index
    %get3A_71 = arith.constant 4096 : index
    %get3A_72 = vector.load %arg5[%get3A_70, %get3A_71] : memref<1x8192xf32, #tpu.memory_space<vmem>>, vector<1x2048xf32>
    %add3A_73 = vector.broadcast %broadcast_in_dim3A : vector<512x1xf32> to vector<512x2048xf32>
    %add3A_74 = vector.broadcast %get3A_72 : vector<1x2048xf32> to vector<512x2048xf32>
    %add3A_75 = arith.addf %add3A_73, %add3A_74 : vector<512x2048xf32>
    %add3A_76 = arith.addf %add3A_75, %dot_general3A_69 : vector<512x2048xf32>
    %reduce_min3A_77 = arith.constant dense<0x7F800000> : vector<512xf32>
    %reduce_min3A_78 = vector.multi_reduction <minimumf>, %add3A_76, %reduce_min3A_77 [1] : vector<512x2048xf32> to vector<512xf32>
    %broadcast_in_dim3A_79 = vector.shape_cast %reduce_min3A_78 : vector<512xf32> to vector<512x1xf32>
    %iota3A_80 = tpu.iota {dimensions = array<i32: 1>} : vector<512x2048xi32>
    %eq3A_81 = vector.broadcast %broadcast_in_dim3A_79 : vector<512x1xf32> to vector<512x2048xf32>
    %eq3A_82 = arith.cmpf oeq, %add3A_76, %eq3A_81 : vector<512x2048xf32>
    %jit3A_83 = arith.constant 8192 : i32
    %broadcast_in_dim3A_84 = vector.broadcast %jit3A_83 : i32 to vector<512x2048xi32>
    %select_n3A_85 = arith.select %eq3A_82, %iota3A_80, %broadcast_in_dim3A_84 : vector<512x2048xi1>, vector<512x2048xi32>
    %reduce_min3A_86 = arith.constant dense<2147483647> : vector<512xi32>
    %reduce_min3A_87 = vector.multi_reduction <minsi>, %select_n3A_85, %reduce_min3A_86 [1] : vector<512x2048xi32> to vector<512xi32>
    %broadcast_in_dim3A_88 = vector.shape_cast %reduce_min3A_87 : vector<512xi32> to vector<512x1xi32>
    %add3A_89 = arith.constant 4096 : i32
    %add3A_90 = vector.broadcast %add3A_89 : i32 to vector<512x1xi32>
    %add3A_91 = arith.addi %broadcast_in_dim3A_88, %add3A_90 : vector<512x1xi32>
    %lt3A_92 = arith.cmpf olt, %broadcast_in_dim3A_79, %select_n3A_63 : vector<512x1xf32>
    %select_n3A_93 = arith.select %lt3A_92, %broadcast_in_dim3A_79, %select_n3A_63 : vector<512x1xi1>, vector<512x1xf32>
    %select_n3A_94 = arith.select %lt3A_92, %add3A_91, %select_n3A_64 : vector<512x1xi1>, vector<512x1xi32>
    %get3A_95 = arith.constant 0 : index
    %get3A_96 = arith.constant 6144 : index
    %get3A_97 = vector.load %arg2[%get3A_95, %get3A_96] : memref<64x8192xf32, #tpu.memory_space<vmem>>, vector<64x2048xf32>
    %dot_general3A_98 = arith.constant dense<0.000000e+00> : vector<512x2048xf32>
    %dot_general3A_99 = tpu.matmul %mul3A_7, %get3A_97, %dot_general3A_98 {dimension_numbers = #tpu.dot_dimension_numbers<[1], [0], [0], [1], [0, 0, 1, 1], [], []>, transpose_lhs_hint = false} : vector<512x64xf32>, vector<64x2048xf32>, vector<512x2048xf32> -> vector<512x2048xf32>
    %get3A_100 = arith.constant 0 : index
    %get3A_101 = arith.constant 6144 : index
    %get3A_102 = vector.load %arg5[%get3A_100, %get3A_101] : memref<1x8192xf32, #tpu.memory_space<vmem>>, vector<1x2048xf32>
    %add3A_103 = vector.broadcast %broadcast_in_dim3A : vector<512x1xf32> to vector<512x2048xf32>
    %add3A_104 = vector.broadcast %get3A_102 : vector<1x2048xf32> to vector<512x2048xf32>
    %add3A_105 = arith.addf %add3A_103, %add3A_104 : vector<512x2048xf32>
    %add3A_106 = arith.addf %add3A_105, %dot_general3A_99 : vector<512x2048xf32>
    %reduce_min3A_107 = arith.constant dense<0x7F800000> : vector<512xf32>
    %reduce_min3A_108 = vector.multi_reduction <minimumf>, %add3A_106, %reduce_min3A_107 [1] : vector<512x2048xf32> to vector<512xf32>
    %broadcast_in_dim3A_109 = vector.shape_cast %reduce_min3A_108 : vector<512xf32> to vector<512x1xf32>
    %iota3A_110 = tpu.iota {dimensions = array<i32: 1>} : vector<512x2048xi32>
    %eq3A_111 = vector.broadcast %broadcast_in_dim3A_109 : vector<512x1xf32> to vector<512x2048xf32>
    %eq3A_112 = arith.cmpf oeq, %add3A_106, %eq3A_111 : vector<512x2048xf32>
    %jit3A_113 = arith.constant 8192 : i32
    %broadcast_in_dim3A_114 = vector.broadcast %jit3A_113 : i32 to vector<512x2048xi32>
    %select_n3A_115 = arith.select %eq3A_112, %iota3A_110, %broadcast_in_dim3A_114 : vector<512x2048xi1>, vector<512x2048xi32>
    %reduce_min3A_116 = arith.constant dense<2147483647> : vector<512xi32>
    %reduce_min3A_117 = vector.multi_reduction <minsi>, %select_n3A_115, %reduce_min3A_116 [1] : vector<512x2048xi32> to vector<512xi32>
    %broadcast_in_dim3A_118 = vector.shape_cast %reduce_min3A_117 : vector<512xi32> to vector<512x1xi32>
    %add3A_119 = arith.constant 6144 : i32
    %add3A_120 = vector.broadcast %add3A_119 : i32 to vector<512x1xi32>
    %add3A_121 = arith.addi %broadcast_in_dim3A_118, %add3A_120 : vector<512x1xi32>
    %lt3A_122 = arith.cmpf olt, %broadcast_in_dim3A_109, %select_n3A_93 : vector<512x1xf32>
    %select_n3A_123 = arith.select %lt3A_122, %broadcast_in_dim3A_109, %select_n3A_93 : vector<512x1xi1>, vector<512x1xf32>
    %select_n3A_124 = arith.select %lt3A_122, %add3A_121, %select_n3A_94 : vector<512x1xi1>, vector<512x1xi32>
    %squeeze3A = vector.shape_cast %select_n3A_124 : vector<512x1xi32> to vector<512xi32>
    %swap3A = arith.constant 0 : index
    %swap3A_125 = arith.constant 0 : index
    %swap3A_126 = arith.constant 0 : index
    %swap3A_127 = vector.load %arg3[%swap3A, %swap3A_125, %swap3A_126] : memref<1x1x512xi32, #tpu.memory_space<vmem>>, vector<1x1x512xi32>
    %swap3A_128 = vector.shape_cast %swap3A_127 : vector<1x1x512xi32> to vector<512xi32>
    %swap3A_129 = vector.shape_cast %squeeze3A : vector<512xi32> to vector<1x1x512xi32>
    tpu.vector_store %arg3[%swap3A, %swap3A_125, %swap3A_126], %swap3A_129 {strides = array<i32>} : memref<1x1x512xi32, #tpu.memory_space<vmem>>, vector<1x1x512xi32>,
    %get3A_130 = arith.constant 0 : index
    %get3A_131 = arith.constant 0 : index
    %get3A_132 = memref.load %arg4[%get3A_130, %get3A_131] : memref<1x1xf32, #tpu.memory_space<smem>>
    %reduce_sum3A_133 = vector.shape_cast %select_n3A_123 : vector<512x1xf32> to vector<1x512x1xf32>
    %reduce_sum3A_134 = arith.constant dense<0.000000e+00> : vector<1xf32>
    %reduce_sum3A_135 = vector.multi_reduction <add>, %reduce_sum3A_133, %reduce_sum3A_134 [1, 2] : vector<1x512x1xf32> to vector<1xf32>
    %reduce_sum3A_136 = vector.shape_cast %reduce_sum3A_135 : vector<1xf32> to vector<1x1x1xf32>
    %reduce_sum3A_137 = vector.extract %reduce_sum3A_136[0, 0, 0] : f32 from vector<1x1x1xf32>
    %mul3A_138 = arith.constant 1.1920929E-7 : f32
    %mul3A_139 = arith.mulf %reduce_sum3A_137, %mul3A_138 : f32
    %add3A_140 = arith.addf %get3A_132, %mul3A_139 : f32
    %swap3A_141 = arith.constant 0 : index
    %swap3A_142 = arith.constant 0 : index
    %swap3A_143 = memref.load %arg4[%swap3A_141, %swap3A_142] : memref<1x1xf32, #tpu.memory_space<smem>>
    memref.store %add3A_140, %arg4[%swap3A_141, %swap3A_142] : memref<1x1xf32, #tpu.memory_space<smem>>
    return
  }
  func.func @transform_0(%arg0: i32) -> (i32, i32) {
    %c0_i32 = arith.constant 0 : i32
    %c0_i32_0 = arith.constant 0 : i32
    return %arg0, %c0_i32 : i32, i32
  }
  func.func @transform_1(%arg0: i32) -> (i32, i32) {
    %c0_i32 = arith.constant 0 : i32
    %c0_i32_0 = arith.constant 0 : i32
    %c0_i32_1 = arith.constant 0 : i32
    return %c0_i32, %c0_i32_0 : i32, i32
  }
  func.func @transform_2(%arg0: i32) -> (i32, i32, i32) {
    %c0_i32 = arith.constant 0 : i32
    %c0_i32_0 = arith.constant 0 : i32
    %c0_i32_1 = arith.constant 0 : i32
    return %arg0, %c0_i32, %c0_i32_0 : i32, i32, i32
  }
  func.func @transform_3(%arg0: i32) -> (i32, i32) {
    %c0_i32 = arith.constant 0 : i32
    %c0_i32_0 = arith.constant 0 : i32
    %c0_i32_1 = arith.constant 0 : i32
    return %c0_i32, %c0_i32_0 : i32, i32
  }
}

</mosaic_0001>

<sc_bundles>
// kernel: kernel.4.cloned.1.call-start
scs
__scs_entry_jumppad:
0x0: {  	(pc) =	sbr.rel $0x88, $3  }
0x1: {  	(tag) =	ssettag $0x0;
	lr =	simm.s32 $0x1  }
0x2: {  	[smem:$0x3F9F] =	sst lr;
	_ =	strace $0xD0000000  }
0x3: {  	_ = 	snop  }
0x4: {  	_ = 	snop  }
0x5: {  	_ = 	snop  }
0x6: {  	_ = 	snop  }
0x7: {  	_ = 	snop  }
__scs_overlays_trampoline_lowered:
0x8: {  	[smem:$0x3FAE] =	sst s0  }
0x9: {  	[smem:$0x3FAF] =	sst s1  }
0xa: {  	[smem:$0x3FB0] =	sst s2  }
0xb: {  	[smem:$0x3FB1] =	sst s3  }
0xc: {  	[smem:$0x3FB2] =	sst s4  }
0xd: {  	[smem:$0x3FB3] =	sst s5  }
0xe: {  	[smem:$0x3FB4] =	sst s6  }
0xf: {  	[smem:$0x3FB5] =	sst s7  }
0x10: {  	[smem:$0x3FB6] =	sst s8  }
0x11: {  	[smem:$0x3FB7] =	sst s9;
	s0 =	simm.s32 @!p0 $0x0  }
0x12: {  	s1 =	sld [smem:$0x3F9D];
	s0 =	simm.s32 @p0 $0x1  }
0x13: {  	[smem:$0x3FB8] =	sst s0;
	s0 =	simm.s32 @!p1 $0x0  }
0x14: {  	s2 =	sld [smem:$0x3F9C];
	s0 =	simm.s32 @p1 $0x1  }
0x15: {  	[smem:$0x3FB9] =	sst s0;
	s0 =	simm.s32 @!p2 $0x0  }
0x16: {  	s3 =	sld [smem:$0x3FDB];
	s0 =	simm.s32 @p2 $0x1  }
0x17: {  	s4 =	simm.s32 $0x1BF5;
	[smem:$0x3FBB] =	sst s0  }
0x18: {  	s0 =	sld [smem:$0x3F9E];
	_ =	swait.ge [sflag:s4], $0x0  }
0x19: {  	s7 =	sld [smem:$0x3F9F]  }
0x1a: {  	s8 =	sadd.s32 $0xFFFFE003, lr  }
0x1b: {  	s9 =	sadd.s32 $0xFFFFFEF7, lr;
	s5 =	simm.s32 $0xFFFFFFFF;
	p2 =	slt.u32 s8, $0xFFFFF086  }
0x1c: {  	p1 =	slt.u32 s9, $0xF7A;
	s5 =	simm.s32 @!p2 $0x0  }
0x1d: {  	s5 =	simm.s32 @p1 $0x1;
	p0 =	seq.s32 s7, s2  }
0x1e: {  	s7 =	smul.u32 @!p0 $0xF7A, s2;
	p2 =	seq.s32 @!p0 s5, $0x0  }
0x1f: {  	s9 =	smul.u32 $0xF7A, s1;
	s8 =	simm.s32 @!p0 $0x1BF5;
	p2 =	por !p2, p0  }
0x20: {  	[sflag:s8] =	ssyncset.s32 @!p0 $0xFFFFF086;
	s6 =	sadd.s32 @!p0 s3, s7;
	s7 =	simm.s32 @!p0 $0x108  }
0x21: {  	s3 =	sadd.s32 s3, s9;
	s6 =	sadd.s32 @!p0 $0x88, s6;
	s7 =	simm.s32 @p2 $0x1082  }
0x22: {  	[simem:s7], [sflag:s8] =	dma.local @!p0 [hbm:s6], $0xF7A  }
0x23: {  	s9 =	sor.u32 $0xD0000000, s2;
	s6 =	simm.s32 $0x108;
	_ =	swait.ge @!p0 [sflag:s8], $0x0  }
0x24: {  	s3 =	sadd.s32 $0x88, s3;
	s6 =	simm.s32 @!p1 $0x1082;
	[sflag:s4] =	ssyncset.s32 $0xFFFFF086  }
0x25: {  	[simem:s6], [sflag:s4] =	dma.local [hbm:s3], $0xF7A  }
0x26: {  	[smem:$0x3F9F] =	sst s1;
	(tag) =	ssettag s2;
	_ =	strace s9  }
0x27: {  	s1 =	sld [smem:$0x3FAF]  }
0x28: {  	s2 =	sld [smem:$0x3FB0]  }
0x29: {  	s4 =	sld [smem:$0x3FB2]  }
0x2a: {  	p0 =	seq.s32 s5, $0x0;
	s5 =	sld [smem:$0x3FB3]  }
0x2b: {  	s6 =	sld [smem:$0x3FB4]  }
0x2c: {  	s7 =	sld [smem:$0x3FB5]  }
0x2d: {  	s3 =	simm.s32 $0x108;
	s8 =	sld [smem:$0x3FB6]  }
0x2e: {  	s3 =	simm.s32 @!p0 $0x1082;
	s9 =	sld [smem:$0x3FB7]  }
0x2f: {  	lr =	sadd.s32 s0, s3;
	s0 =	sld [smem:$0x3FAE]  }
0x30: {  	s3 =	sld [smem:$0x3FB1]  }
0x31: {  	[smem:$0x3FBA] =	sst s10  }
0x32: {  	s10 =	sld [smem:$0x3FB8];
	_ =	sdelay $0x3  }
0x33: {  	p0 =	seq.s32 s10, $0x1;
	s10 =	sld [smem:$0x3FBA];
	_ =	sdelay $0x3  }
0x34: {  	[smem:$0x3FBA] =	sst s10  }
0x35: {  	s10 =	sld [smem:$0x3FB9];
	_ =	sdelay $0x3  }
0x36: {  	p1 =	seq.s32 s10, $0x1;
	s10 =	sld [smem:$0x3FBA];
	_ =	sdelay $0x3  }
0x37: {  	[smem:$0x3FBA] =	sst s10  }
0x38: {  	s10 =	sld [smem:$0x3FBB]  }
0x39: {  	_ = 	snop;
	(pc) =	sbr.ind lr, $3  }
0x3a: {  	_ = 	snop  }
0x3b: {  	_ = 	snop  }
0x3c: {  	p2 =	seq.s32 s10, $0x1;
	s10 =	sld [smem:$0x3FBA]  }
0x3d: {  	_ =	shalt  }
0x3e: {  	_ =	shalt  }
0x3f: {  	_ =	shalt  }
0x40: {  	_ =	shalt  }
0x41: {  	_ =	shalt  }
0x42: {  	_ =	shalt  }
0x43: {  	_ =	shalt  }
0x44: {  	_ =	shalt  }
0x45: {  	_ =	shalt  }
0x46: {  	_ =	shalt  }
0x47: {  	_ =	shalt  }
0x48: {  	_ =	shalt  }
0x49: {  	_ =	shalt  }
0x4a: {  	_ =	shalt  }
0x4b: {  	_ =	shalt  }
0x4c: {  	_ =	shalt  }
0x4d: {  	_ =	shalt  }
0x4e: {  	_ =	shalt  }
0x4f: {  	_ =	shalt  }
0x50: {  	_ =	shalt  }
0x51: {  	_ =	shalt  }
0x52: {  	_ =	shalt  }
0x53: {  	_ =	shalt  }
0x54: {  	_ =	shalt  }
0x55: {  	_ =	shalt  }
0x56: {  	_ =	shalt  }
0x57: {  	_ =	shalt  }
0x58: {  	_ =	shalt  }
0x59: {  	_ =	shalt  }
0x5a: {  	_ =	shalt  }
0x5b: {  	_ =	shalt  }
0x5c: {  	_ =	shalt  }
0x5d: {  	_ =	shalt  }
0x5e: {  	_ =	shalt  }
0x5f: {  	_ =	shalt  }
0x60: {  	_ =	shalt  }
0x61: {  	_ =	shalt  }
0x62: {  	_ =	shalt  }
0x63: {  	_ =	shalt  }
0x64: {  	_ =	shalt  }
0x65: {  	_ =	shalt  }
0x66: {  	_ =	shalt  }
0x67: {  	_ =	shalt  }
0x68: {  	_ =	shalt  }
0x69: {  	_ =	shalt  }
0x6a: {  	_ =	shalt  }
0x6b: {  	_ =	shalt  }
0x6c: {  	_ =	shalt  }
0x6d: {  	_ =	shalt  }
0x6e: {  	_ =	shalt  }
0x6f: {  	_ =	shalt  }
0x70: {  	_ =	shalt  }
0x71: {  	_ =	shalt  }
0x72: {  	_ =	shalt  }
0x73: {  	_ =	shalt  }
0x74: {  	_ =	shalt  }
0x75: {  	_ =	shalt  }
0x76: {  	_ =	shalt  }
0x77: {  	_ =	shalt  }
0x78: {  	_ =	shalt  }
0x79: {  	_ =	shalt  }
0x7a: {  	_ =	shalt  }
0x7b: {  	_ =	shalt  }
0x7c: {  	_ =	shalt  }
0x7d: {  	_ =	shalt  }
0x7e: {  	_ =	shalt  }
0x7f: {  	_ =	shalt  }
0x80: {  	_ =	shalt  }
0x81: {  	_ =	shalt  }
0x82: {  	_ =	shalt  }
0x83: {  	_ =	shalt  }
0x84: {  	_ =	shalt  }
0x85: {  	_ =	shalt  }
0x86: {  	_ =	shalt  }
0x87: {  	_ =	shalt  }
.Lfunc_end0:
.L_simem_size_0:
called_computation.1_lowered:
.L_overlay_start_0:
0x88: {  	s2 =	sld [smem:$0x3FD9]  }
0x89: {  	s3 =	sld [smem:$0x3FFE];
	_ =	sdelay $0x1  }
0x8a: {  	s1 =	srdreg.scid  }
0x8b: {  	s0 =	sand.u32 $0x1, s1  }
0x8c: {  	s14 =	sshll.u32 s0, $0xA;
	s2 =	sadd.s32 s3, s2  }
0x8d: {  	s2 =	sadd.s32 s2, s14  }
0x8e: {  	[smem:$0x3FC6] =	sst s2  }
0x8f: {  	_ = 	snop  }
0x90: {  	s2 =	sld [smem:$0x3FD0];
	_ =	sdelay $0x2  }
0x91: {  	s15 =	simm.s32 $0xA;
	s4 =	simm.s32 $0x10  }
0x92: {  	[smem:s4], [sflag:s15] =	dma.local [hbm:s2], $0x1  }
0x93: {  	_ =	swait.eq [sflag:s15], $0x1  }
0x94: {  	[sflag:s15] =	ssyncset.done $0x0  }
0x95: {  	s16 =	sld [smem:$0x10];
	[sflag:s15] =	ssyncadd.s32 $0xFFFFFFFF  }
0x96: {  	s17 =	sld [smem:$0x11];
	(tm) =	ssettm $0x1  }
0x97: {  	s18 =	sld [smem:$0x3FFB];
	_ =	sdelay $0x3  }
0x98: {  	_ =	strace s18  }
0x99: {  	s4 =	sld [smem:$0x3FFC];
	_ =	sdelay $0x3  }
0x9a: {  	_ =	strace s4  }
0x9b: {  	s4 =	sld [smem:$0x3FFD];
	_ =	sdelay $0x3  }
0x9c: {  	_ =	strace s4  }
0x9d: {  	_ =	strace $0x8FFFFFFF  }
0x9e: {  	s19 =	sld [smem:$0x3FDB];
	_ =	sdelay $0x1  }
0x9f: {  	s5 =	simm.s32 $_scs_section_size  }
0xa0: {  	s6 =	simm.s32 $_size__tile_overlayer_lowered;
	s7 =	simm.s32 $_tile_overlayer_lowered  }
0xa1: {  	s22 =	simm.s32 $0x1BFF;
	s21 =	sshll.u32 s7, $0x1;
	s4 =	sadd.s32 s5, s19  }
0xa2: {  	s8 =	simm.s32 $0x0;
	s20 =	sshll.u32 s6, $0x1;
	s6 =	sadd.s32 s21, s4  }
0xa3: {  	[timem:s8], [sflag:s22] =	dma.local [hbm:s6], s20  }
0xa4: {  	_ =	swait.ge [sflag:s22], s20  }
0xa5: {  	s5 =	ssub.s32 $0x0, s20;
	[sflag:s22] =	ssyncset.done $0x0  }
0xa6: {  	[sflag:s22] =	ssyncadd.s32 s5;
	_ =	sdelay $0x1  }
0xa7: {  	s23 =	simm.s32 $0x1B8B  }
0xa8: {  	_ =	swait.ge [sflag:s23], $0x1  }
0xa9: {  	[sflag:s23] =	ssyncset.done $0x0  }
0xaa: {  	s25 =	simm.s32 $0x1B8E;
	s24 =	sld [smem:$0x3FFE];
	[sflag:s23] =	ssyncadd.s32 $0xFFFFFFFF  }
0xab: {  	s26 =	simm.s32 $execute0_lowered;
	[smem:$0x3FD2] =	sst s25  }
0xac: {  	s6 =	sshll.u32 s26, $0x1;
	_ =	strace $0x80000046;
	[dreg:$0x1] =	wrdreg $0xFFFFFFFF  }
0xad: {  	s28 =	simm.s32 $_size_execute0_lowered;
	s4 =	sadd.s32 s4, s6;
	[dreg:$0x0] =	wrdreg $0x0  }
0xae: {  	s6 =	sshll.u32 s28, $0x1;
	[dreg:$0x2] =	wrdreg s4  }
0xaf: {  	[dreg:$0x3] =	wrdreg s6  }
0xb0: {  	[dreg:$0x4] =	wrdreg $0xC0  }
0xb1: {  	_ =	task [dreg:s8], $0x5FFFF  }
0xb2: {  	[dreg:$0x1] =	wrdreg $0xFFFFFFFF  }
0xb3: {  	[dreg:$0x0] =	wrdreg $0x60  }
0xb4: {  	[dreg:$0x2] =	wrdreg s24  }
0xb5: {  	[dreg:$0x3] =	wrdreg s17  }
0xb6: {  	[dreg:$0x4] =	wrdreg s16  }
0xb7: {  	[dreg:$0x5] =	wrdreg $0x9  }
0xb8: {  	_ =	task.clear_ibuf [dreg:s8], $0x6FFFF;
	_ =	strace $0x90000046  }
0xb9: {  	s29 =	simm.s32 $0x9;
	_ =	strace $0x80000048  }
0xba: {  	_ =	swait.ge [sflag:s29], $0x1  }
0xbb: {  	[sflag:s29] =	ssyncadd.s32 $0xFFFFFFFF  }
0xbc: {  	_ =	strace $0x90000048  }
0xbd: {  	_ =	sfence  }
0xbe: {  	s30 =	sld [smem:$0x0];
	_ =	sdelay $0x2  }
0xbf: {  	s31 =	sshll.u32 s1, $0xD;
	s1 =	sshrl.u32 s1, $0x2  }
0xc0: {  	s3 =	sand.u32 $0x4000, s31;
	s1 =	sadd.s32 s1, s30  }
0xc1: {  	s0 =	sor.u32 s3, s0;
	s1 =	sshll.u32 s1, $0x11  }
0xc2: {  	s0 =	sor.u32 s1, s0  }
0xc3: {  	s0 =	sadd.s32 $0x8F2B, s0  }
0xc4: {  	[sflag:s0] =	ssyncadd.remote.s32 $0x1  }
0xc5: {  	_ =	sfence.sel $0xFFFF  }
0xc6: {  	[dreg:$0x0] =	wrdreg $0xFFFFFFFF;
	(pc) =	sbr.abs _section_cstart, $3  }
0xc7: {  	[dreg:$0x1] =	wrdreg $0xFFFFFFFF  }
0xc8: {  	_ =	task.clear_ibuf [dreg:s8], $0x2FFFF;
	_ =	strace $0x9FFFFFFF  }
0xc9: {  	(tm) =	ssettm $0x7FFFFFFF  }
tec
execute0_lowered:
.L_overlay_start_1:
0x0: {  	(tag) =	ssettag $0x1  }
0x1: {  	s5 =	rddreg [dreg:$0x0];
	s1 =	srdreg.scid  }
0x2: {  	s13 =	rddreg [dreg:$0x1];
	s0 =	stileid.u32;
	s15 =	sand.u32 $0x1, s1  }
0x3: {  	s14 =	rddreg [dreg:$0x2];
	s3 =	sshll.u32 s0, $0xD;
	s4 =	sshll.u32 s15, $0xC  }
0x4: {  	s2 =	simm.s32 $0x0;
	s1 =	rddreg [dreg:$0x3];
	s16 =	sor.u32 s4, s3  }
0x5: {  	[smem:$0x7FF] =	sst s2;
	s3 =	sshrl.u32 s16, $0x3  }
0x6: {  	_ =	strace $0x80000047;
	s4 =	sadd.s32 s13, s3;
	s3 =	simm.s32 $0x2  }
0x7: {  	[tilespmem:s2], [sflag:$0x2] =	stream.linear.gather [hbm4b:s4+s2], $0x400, $0x38;
	[tilespmem:$0x10400] =	vst v63  }
0x8: {  	_ =	swait.ge [sflag:s3], $0x400  }
0x9: {  	s6 =	simm.s32 $0x400;
	[sflag:s3] =	ssyncset.done $0x0  }
0xa: {  	s7 =	simm.s32 $0x1;
	s5 =	sadd.s32 $0xC00, s5;
	[sflag:s3] =	ssyncadd.s32 $0xFFFFFC00  }
0xb: {  	[tilespmem:s6], [sflag:$0x1] =	stream.indirect.gather [hbm4b:s5+s6], $0x40, s2, s6, $0xb8;
	[tilespmem:$0x10400] =	vst v63  }
0xc: {  	_ =	swait.ge [sflag:s7], $0x10000  }
0xd: {  	s8 =	sshll.u32 s16, $0x3;
	[sflag:s7] =	ssyncset.done $0x0  }
0xe: {  	s8 =	sadd.s32 s14, s8;
	[sflag:s7] =	ssyncadd.s32 $0xFFFF0000  }
0xf: {  	[hbm4b:s8+s2] =	stream.linear.scatter [tilespmem:s6], [sflag:$0x2], $0x10000, $0x38;
	[tilespmem:$0x10400] =	vst v63  }
0x10: {  	s10 =	sor.u32 $0x400, s16;
	_ =	swait.ge [sflag:s3], $0x10000  }
0x11: {  	s9 =	sshrl.u32 s10, $0x3;
	[sflag:s3] =	ssyncset.done $0x0  }
0x12: {  	s9 =	sadd.s32 s13, s9;
	[sflag:s3] =	ssyncadd.s32 $0xFFFF0000  }
0x13: {  	[tilespmem:s2], [sflag:$0x2] =	stream.linear.gather [hbm4b:s9+s2], $0x400, $0x38;
	[tilespmem:$0x10400] =	vst v63  }
0x14: {  	_ =	swait.ge [sflag:s3], $0x400  }
0x15: {  	[sflag:s3] =	ssyncset.done $0x0  }
0x16: {  	[sflag:s3] =	ssyncadd.s32 $0xFFFFFC00  }
0x17: {  	[tilespmem:s6], [sflag:$0x1] =	stream.indirect.gather [hbm4b:s5+s6], $0x40, s2, s6, $0xb8;
	[tilespmem:$0x10400] =	vst v63  }
0x18: {  	_ =	swait.ge [sflag:s7], $0x10000  }
0x19: {  	s10 =	sshll.u32 s10, $0x3;
	[sflag:s7] =	ssyncset.done $0x0  }
0x1a: {  	s10 =	sadd.s32 s14, s10;
	[sflag:s7] =	ssyncadd.s32 $0xFFFF0000  }
0x1b: {  	[hbm4b:s10+s2] =	stream.linear.scatter [tilespmem:s6], [sflag:$0x2], $0x10000, $0x38;
	[tilespmem:$0x10400] =	vst v63  }
0x1c: {  	s12 =	sor.u32 $0x800, s16;
	_ =	swait.ge [sflag:s3], $0x10000  }
0x1d: {  	s11 =	sshrl.u32 s12, $0x3;
	[sflag:s3] =	ssyncset.done $0x0  }
0x1e: {  	s11 =	sadd.s32 s13, s11;
	[sflag:s3] =	ssyncadd.s32 $0xFFFF0000  }
0x1f: {  	[tilespmem:s2], [sflag:$0x2] =	stream.linear.gather [hbm4b:s11+s2], $0x400, $0x38;
	[tilespmem:$0x10400] =	vst v63  }
0x20: {  	_ =	swait.ge [sflag:s3], $0x400  }
0x21: {  	[sflag:s3] =	ssyncset.done $0x0  }
0x22: {  	[sflag:s3] =	ssyncadd.s32 $0xFFFFFC00  }
0x23: {  	[tilespmem:s6], [sflag:$0x1] =	stream.indirect.gather [hbm4b:s5+s6], $0x40, s2, s6, $0xb8;
	[tilespmem:$0x10400] =	vst v63  }
0x24: {  	_ =	swait.ge [sflag:s7], $0x10000  }
0x25: {  	s12 =	sshll.u32 s12, $0x3;
	[sflag:s7] =	ssyncset.done $0x0  }
0x26: {  	s12 =	sadd.s32 s14, s12;
	[sflag:s7] =	ssyncadd.s32 $0xFFFF0000  }
0x27: {  	[hbm4b:s12+s2] =	stream.linear.scatter [tilespmem:s6], [sflag:$0x2], $0x10000, $0x38;
	[tilespmem:$0x10400] =	vst v63  }
0x28: {  	s16 =	sor.u32 $0xC00, s16;
	_ =	swait.ge [sflag:s3], $0x10000  }
0x29: {  	s17 =	sshrl.u32 s16, $0x3;
	[sflag:s3] =	ssyncset.done $0x0  }
0x2a: {  	s15 =	ssub.s32 $0x2, s15;
	s13 =	sadd.s32 s13, s17;
	[sflag:s3] =	ssyncadd.s32 $0xFFFF0000  }
0x2b: {  	[tilespmem:s2], [sflag:$0x2] =	stream.linear.gather [hbm4b:s13+s2], $0x400, $0x38;
	[tilespmem:$0x10400] =	vst v63  }
0x2c: {  	s31 =	sshrl.u32 s15, $0x1;
	_ =	swait.ge [sflag:s3], $0x400  }
0x2d: {  	s15 =	ssub.s32 s15, s31;
	[sflag:s3] =	ssyncset.done $0x0  }
0x2e: {  	s15 =	smax.u32 s15, $0x1;
	[sflag:s3] =	ssyncadd.s32 $0xFFFFFC00  }
0x2f: {  	[tilespmem:s6], [sflag:$0x1] =	stream.indirect.gather [hbm4b:s5+s6], $0x40, s2, s6, $0xb8;
	[tilespmem:$0x10400] =	vst v63  }
0x30: {  	p0 =	sne.s32 s15, $0x1;
	_ =	swait.ge [sflag:s7], $0x10000  }
.Ltmp0:
0x31: {  	s16 =	sshll.u32 s16, $0x3;
	[sflag:s7] =	ssyncset.done $0x0;
	(pc) =	sbr.rel @!p0 .LBB2_2-.Ltmp0, $4  }
0x32: {  	s14 =	sadd.s32 s14, s16;
	[sflag:s7] =	ssyncadd.s32 $0xFFFF0000  }
0x33: {  	[hbm4b:s14+s2] =	stream.linear.scatter [tilespmem:s6], [sflag:$0x2], $0x10000, $0x38;
	[tilespmem:$0x10400] =	vst v63  }
0x34: {  	_ =	swait.ge [sflag:s3], $0x10000  }
0x35: {  	s15 =	sadd.s32 $0xFFFFFFFF, s15;
	[sflag:s3] =	ssyncset.done $0x0  }
.LBB2_1:
0x36: {  	p0 =	sne.s32 s15, $0x1;
	s15 =	sadd.s32 $0xFFFFFFFF, s15;
	[sflag:s3] =	ssyncadd.s32 $0xFFFF0000  }
0x37: {  	[tilespmem:s2], [sflag:$0x2] =	stream.linear.gather [hbm4b:s4+s2], $0x400, $0x38;
	[tilespmem:$0x10400] =	vst v63  }
0x38: {  	_ =	swait.ge [sflag:s3], $0x400  }
0x39: {  	[sflag:s3] =	ssyncset.done $0x0  }
0x3a: {  	[sflag:s3] =	ssyncadd.s32 $0xFFFFFC00  }
0x3b: {  	[tilespmem:s6], [sflag:$0x1] =	stream.indirect.gather [hbm4b:s5+s6], $0x40, s2, s6, $0xb8;
	[tilespmem:$0x10400] =	vst v63  }
0x3c: {  	_ =	swait.ge [sflag:s7], $0x10000  }
0x3d: {  	[sflag:s7] =	ssyncset.done $0x0  }
0x3e: {  	[sflag:s7] =	ssyncadd.s32 $0xFFFF0000  }
0x3f: {  	[hbm4b:s8+s2] =	stream.linear.scatter [tilespmem:s6], [sflag:$0x2], $0x10000, $0x38;
	[tilespmem:$0x10400] =	vst v63  }
0x40: {  	_ =	swait.ge [sflag:s3], $0x10000  }
0x41: {  	[sflag:s3] =	ssyncset.done $0x0  }
0x42: {  	[sflag:s3] =	ssyncadd.s32 $0xFFFF0000  }
0x43: {  	[tilespmem:s2], [sflag:$0x2] =	stream.linear.gather [hbm4b:s9+s2], $0x400, $0x38;
	[tilespmem:$0x10400] =	vst v63  }
0x44: {  	_ =	swait.ge [sflag:s3], $0x400  }
0x45: {  	[sflag:s3] =	ssyncset.done $0x0  }
0x46: {  	[sflag:s3] =	ssyncadd.s32 $0xFFFFFC00  }
0x47: {  	[tilespmem:s6], [sflag:$0x1] =	stream.indirect.gather [hbm4b:s5+s6], $0x40, s2, s6, $0xb8;
	[tilespmem:$0x10400] =	vst v63  }
0x48: {  	_ =	swait.ge [sflag:s7], $0x10000  }
0x49: {  	[sflag:s7] =	ssyncset.done $0x0  }
0x4a: {  	[sflag:s7] =	ssyncadd.s32 $0xFFFF0000  }
0x4b: {  	[hbm4b:s10+s2] =	stream.linear.scatter [tilespmem:s6], [sflag:$0x2], $0x10000, $0x38;
	[tilespmem:$0x10400] =	vst v63  }
0x4c: {  	_ =	swait.ge [sflag:s3], $0x10000  }
0x4d: {  	[sflag:s3] =	ssyncset.done $0x0  }
0x4e: {  	[sflag:s3] =	ssyncadd.s32 $0xFFFF0000  }
0x4f: {  	[tilespmem:s2], [sflag:$0x2] =	stream.linear.gather [hbm4b:s11+s2], $0x400, $0x38;
	[tilespmem:$0x10400] =	vst v63  }
0x50: {  	_ =	swait.ge [sflag:s3], $0x400  }
0x51: {  	[sflag:s3] =	ssyncset.done $0x0  }
0x52: {  	[sflag:s3] =	ssyncadd.s32 $0xFFFFFC00  }
0x53: {  	[tilespmem:s6], [sflag:$0x1] =	stream.indirect.gather [hbm4b:s5+s6], $0x40, s2, s6, $0xb8;
	[tilespmem:$0x10400] =	vst v63  }
0x54: {  	_ =	swait.ge [sflag:s7], $0x10000  }
0x55: {  	[sflag:s7] =	ssyncset.done $0x0  }
0x56: {  	[sflag:s7] =	ssyncadd.s32 $0xFFFF0000  }
0x57: {  	[hbm4b:s12+s2] =	stream.linear.scatter [tilespmem:s6], [sflag:$0x2], $0x10000, $0x38;
	[tilespmem:$0x10400] =	vst v63  }
0x58: {  	_ =	swait.ge [sflag:s3], $0x10000  }
0x59: {  	[sflag:s3] =	ssyncset.done $0x0  }
0x5a: {  	[sflag:s3] =	ssyncadd.s32 $0xFFFF0000  }
0x5b: {  	[tilespmem:s2], [sflag:$0x2] =	stream.linear.gather [hbm4b:s13+s2], $0x400, $0x38;
	[tilespmem:$0x10400] =	vst v63  }
0x5c: {  	_ =	swait.ge [sflag:s3], $0x400  }
0x5d: {  	[sflag:s3] =	ssyncset.done $0x0  }
0x5e: {  	[sflag:s3] =	ssyncadd.s32 $0xFFFFFC00  }
0x5f: {  	[tilespmem:s6], [sflag:$0x1] =	stream.indirect.gather [hbm4b:s5+s6], $0x40, s2, s6, $0xb8;
	[tilespmem:$0x10400] =	vst v63  }
0x60: {  	_ =	swait.ge [sflag:s7], $0x10000  }
.Ltmp1:
0x61: {  	[sflag:s7] =	ssyncset.done $0x0;
	(pc) =	sbr.rel @p0 .LBB2_1-.Ltmp1, $4  }
0x62: {  	[sflag:s7] =	ssyncadd.s32 $0xFFFF0000  }
0x63: {  	[hbm4b:s14+s2] =	stream.linear.scatter [tilespmem:s6], [sflag:$0x2], $0x10000, $0x38;
	[tilespmem:$0x10400] =	vst v63  }
0x64: {  	_ =	swait.ge [sflag:s3], $0x10000  }
0x65: {  	[sflag:s3] =	ssyncset.done $0x0  }
.LBB2_2:
0x66: {  	[sflag:s3] =	ssyncadd.s32 $0xFFFF0000  }
0x67: {  	_ =	sfence.sel $0x180000  }
0x68: {  	[bflag:$0x0] =	sbarrier.arrive $0xFFFF  }
0x69: {  	p0 =	sne.s32 s0, $0x0;
	_ =	strace $0x90000047  }
0x6a: {  	s0 =	sadd.s32 @!p0 $0x100000, s1;
	[bflag:$0x2] =	sbarrier.arrive $0xFFFF  }
0x6b: {  	[sflag:s0] =	ssyncadd.tile.s32 @!p0 $0x1;
	_ =	shalt  }
.Lfunc_end2:
_tile_overlayer_lowered:
.L_overlay_start_2:
0x6c: {  	(tag) =	ssettag $0x2  }
0x6d: {  	s0 =	rddreg [dreg:$0x0];
	s2 =	stileid.u32  }
0x6e: {  	s1 =	rddreg [dreg:$0x1];
	p0 =	sne.s32 s2, $0x0  }
0x6f: {  	s3 =	rddreg [dreg:$0x2];
	[bflag:$0x3] =	sbarrier.arrive $0xFFFF;
	s2 =	simm.s32 @!p0 $0x1C02  }
0x70: {  	[timem:s3], [sflag:s2] =	dma.local @!p0 [hbm:s0], s1  }
0x71: {  	s0 =	simm.s32 @!p0 $0x2  }
0x72: {  	_ =	swait.ge @!p0 [sflag:s0], s1  }
0x73: {  	s1 =	ssub.s32 @!p0 $0x0, s1;
	[sflag:s0] =	ssyncset.done @!p0 $0x0  }
0x74: {  	[sflag:s0] =	ssyncadd.s32 @!p0 s1  }
0x75: {  	[bflag:$0x3] =	sbarrier.arrive $0xFFFF  }
0x76: {  	_ =	shalt  }

// kernel: sparse-core-data-format-call.cloned.1.call-start
scs
called_computation_lowered:
.L_overlay_start_0:
0x0: {  	s2 =	sld [smem:$0x3FD9]  }
0x1: {  	s3 =	sld [smem:$0x3FFE];
	_ =	sdelay $0x1  }
0x2: {  	s1 =	srdreg.scid  }
0x3: {  	s0 =	sand.u32 $0x1, s1  }
0x4: {  	s15 =	sshll.u32 s0, $0xA;
	s2 =	sadd.s32 s3, s2  }
0x5: {  	s2 =	sadd.s32 s2, s15  }
0x6: {  	[smem:$0x3FC6] =	sst s2  }
0x7: {  	_ = 	snop  }
0x8: {  	s2 =	sld [smem:$0x3FD0];
	_ =	sdelay $0x2  }
0x9: {  	s16 =	simm.s32 $0xA;
	s4 =	simm.s32 $0x10  }
0xa: {  	[smem:s4], [sflag:s16] =	dma.local [hbm:s2], $0x1  }
0xb: {  	_ =	swait.eq [sflag:s16], $0x1  }
0xc: {  	[sflag:s16] =	ssyncset.done $0x0  }
0xd: {  	[sflag:s16] =	ssyncadd.s32 $0xFFFFFFFF  }
0xe: {  	s17 =	sld [smem:$0x10];
	(tm) =	ssettm $0x1  }
0xf: {  	s18 =	sld [smem:$0x3FFB];
	_ =	sdelay $0x3  }
0x10: {  	_ =	strace s18  }
0x11: {  	s3 =	sld [smem:$0x3FFC];
	_ =	sdelay $0x3  }
0x12: {  	_ =	strace s3  }
0x13: {  	s3 =	sld [smem:$0x3FFD];
	_ =	sdelay $0x3  }
0x14: {  	_ =	strace s3  }
0x15: {  	_ =	strace $0x8FFFFFFF  }
0x16: {  	s19 =	sld [smem:$0x3FDB];
	_ =	sdelay $0x1  }
0x17: {  	s20 =	simm.s32 $_scs_section_size  }
0x18: {  	s5 =	simm.s32 $_size__tile_overlayer_lowered;
	s6 =	simm.s32 $_tile_overlayer_lowered  }
0x19: {  	s23 =	simm.s32 $0x1BFF;
	s22 =	sshll.u32 s6, $0x1;
	s3 =	sadd.s32 s20, s19  }
0x1a: {  	s7 =	simm.s32 $0x0;
	s21 =	sshll.u32 s5, $0x1;
	s5 =	sadd.s32 s22, s3  }
0x1b: {  	[timem:s7], [sflag:s23] =	dma.local [hbm:s5], s21  }
0x1c: {  	_ =	swait.ge [sflag:s23], s21  }
0x1d: {  	s4 =	ssub.s32 $0x0, s21;
	[sflag:s23] =	ssyncset.done $0x0  }
0x1e: {  	[sflag:s23] =	ssyncadd.s32 s4;
	_ =	sdelay $0x1  }
0x1f: {  	s24 =	simm.s32 $0x1B8B  }
0x20: {  	_ =	swait.ge [sflag:s24], $0x1  }
0x21: {  	[sflag:s24] =	ssyncset.done $0x0  }
0x22: {  	s26 =	simm.s32 $0x1B8E;
	s25 =	sld [smem:$0x3FFE];
	[sflag:s24] =	ssyncadd.s32 $0xFFFFFFFF  }
0x23: {  	s27 =	simm.s32 $execute0_lowered;
	[smem:$0x3FD2] =	sst s26  }
0x24: {  	s5 =	sshll.u32 s27, $0x1;
	_ =	strace $0x80000049;
	[dreg:$0x1] =	wrdreg $0xFFFFFFFF  }
0x25: {  	s28 =	simm.s32 $_size_execute0_lowered;
	s3 =	sadd.s32 s3, s5;
	[dreg:$0x0] =	wrdreg $0x0  }
0x26: {  	s5 =	sshll.u32 s28, $0x1;
	[dreg:$0x2] =	wrdreg s3  }
0x27: {  	[dreg:$0x3] =	wrdreg s5  }
0x28: {  	[dreg:$0x4] =	wrdreg $0xC0  }
0x29: {  	_ =	task [dreg:s7], $0x5FFFF  }
0x2a: {  	[dreg:$0x1] =	wrdreg $0xFFFFFFFF  }
0x2b: {  	[dreg:$0x0] =	wrdreg $0x60  }
0x2c: {  	[dreg:$0x2] =	wrdreg s25  }
0x2d: {  	[dreg:$0x3] =	wrdreg s17  }
0x2e: {  	[dreg:$0x4] =	wrdreg $0x9  }
0x2f: {  	_ =	task.clear_ibuf [dreg:s7], $0x5FFFF;
	_ =	strace $0x90000049  }
0x30: {  	s29 =	simm.s32 $0x9;
	_ =	strace $0x8000004B  }
0x31: {  	_ =	swait.ge [sflag:s29], $0x1  }
0x32: {  	[sflag:s29] =	ssyncadd.s32 $0xFFFFFFFF  }
0x33: {  	_ =	strace $0x9000004B  }
0x34: {  	_ =	sfence  }
0x35: {  	s30 =	sld [smem:$0x0];
	_ =	sdelay $0x2  }
0x36: {  	s31 =	sshll.u32 s1, $0xD;
	s1 =	sshrl.u32 s1, $0x2  }
0x37: {  	s3 =	sand.u32 $0x4000, s31;
	s1 =	sadd.s32 s1, s30  }
0x38: {  	s0 =	sor.u32 s3, s0;
	s1 =	sshll.u32 s1, $0x11  }
0x39: {  	s0 =	sor.u32 s1, s0  }
0x3a: {  	s0 =	sadd.s32 $0x8F2B, s0  }
0x3b: {  	[sflag:s0] =	ssyncadd.remote.s32 $0x1  }
0x3c: {  	_ =	sfence.sel $0xFFFF  }
0x3d: {  	[dreg:$0x0] =	wrdreg $0xFFFFFFFF;
	(pc) =	sbr.abs _section_cstart, $3  }
0x3e: {  	[dreg:$0x1] =	wrdreg $0xFFFFFFFF  }
0x3f: {  	_ =	task.clear_ibuf [dreg:s7], $0x2FFFF;
	_ =	strace $0x9FFFFFFF  }
0x40: {  	(tm) =	ssettm $0x7FFFFFFF  }
0x41: {  	_ =	shalt  }
tec
execute0_lowered:
.L_overlay_start_1:
0x0: {  	(tag) =	ssettag $0x1  }
0x1: {  	s0 =	srdreg.scid  }
0x2: {  	s1 =	sshll.u32 s0, $0x4  }
0x3: {  	s4 =	rddreg [dreg:$0x0];
	s0 =	stileid.u32;
	s1 =	sand.u32 $0x10, s1  }
0x4: {  	s2 =	rddreg [dreg:$0x1];
	s7 =	simm.s32 $0x1;
	s1 =	sor.u32 s0, s1  }
0x5: {  	s8 =	simm.s32 $0x2;
	s11 =	simm.s32 $0x0;
	s3 =	sshll.u32 s1, $0x7  }
0x6: {  	s10 =	simm.s32 $0x0;
	s4 =	sadd.s32 $0xC00, s4;
	s6 =	ssub.s32 $0x20000, s3  }
.Ltmp0:
0x7: {  	s1 =	rddreg [dreg:$0x2];
	s5 =	sand.u32 $0xF80, s6;
	(pc) =	sbr.rel .LBB1_1-.Ltmp0, $4  }
0x8: {  	_ =	strace $0x8000004A;
	s9 =	smov.u32 s3;
	p0 =	sne.s32 s5, $0x0  }
0x9: {  	s6 =	sshrl.u32 s6, $0xC;
	s5 =	simm.s32 $0x1;
	s7 =	simm.s32 @!p0 $0x0  }
0xa: {  	[sflag:s5] =	ssyncpa.u1 $0x0;
	p0 =	por $0x0, $0x0;
	s6 =	sadd.s32 s7, s6  }
0xb: {  	[sflag:s8] =	ssyncpa.u1 $0x0;
	s8 =	simm.s32 $0x100000;
	s7 =	sadd.s32 $0x1, s6  }
.LBB1_4:
0xc: {  	s14 =	sshll.u32 s11, $0x3  }
0xd: {  	s15 =	sand.u32 $0x78, s11;
	s14 =	sand.u32 $0x1FC00, s14  }
0xe: {  	[tilespmem:s13+$0x810 ss:$0x81] =	vst.msk $0xffff, v2;
	s29 =	sand.u32 $0xFC000, s11;
	s30 =	sand.u32 $0x7, s11;
	s14 =	sor.u32 s15, s14  }
0xf: {  	[tilespmem:s13+$0x1020 ss:$0x81] =	vst.msk $0xffff, v0;
	s11 =	sshll.u32 s30, $0x12;
	s15 =	sadd.s32 s2, s29;
	s14 =	sshrl.u32 s14, $0x3  }
0x10: {  	[tilespmem:s13+$0x0 ss:$0x81] =	vst.msk $0xffff, v1;
	s11 =	sor.u32 $0x400, s11;
	s31 =	sadd.s32 s14, s15  }
0x11: {  	[hbm4b:s31+s11] =	stream.strided.scatter [tilespmem:s12], [sflag:$0x2], $0x2000, s8, s11, $0x20;
	[tilespmem:$0x8080] =	vst v63  }
.LBB1_5:
0x12: {  	s13 =	sadd.s32 $0x1000, s9  }
0x13: {  	p2 =	sgt.s32 s13, $0x1FFFF  }
0x14: {  	s13 =	smov.u32 @p2 s3;
	p2 =	sne.s32 s10, s7  }
.Ltmp1:
0x15: {  	p1 =	slt.u32 s10, $0x2;
	(pc) =	sbr.rel @!p2 .LBB1_6-.Ltmp1, $4  }
0x16: {  	s12 =	simm.s32 @!p1 $0x2  }
0x17: {  	s14 =	sadd.s32 $0x1, s10;
	_ =	swait.ge @!p1 [sflag:s12], $0x2000  }
0x18: {  	s11 =	smov.u32 s9;
	p0 =	por !p0, !p0;
	[sflag:s12] =	ssyncset.done @!p1 $0x0  }
0x19: {  	s10 =	smov.u32 s14;
	s9 =	smov.u32 s13;
	[sflag:s12] =	ssyncadd.s32 @!p1 $0xFFFFE000  }
.LBB1_1:
0x1a: {  	p1 =	sge.u32 s10, s6  }
0x1b: {  	s31 =	sadd.s32 $0xFFFFFFFF, s10;
	s12 =	sxor.u32 @!p1 $0xFFFFFFFF, s10;
	s13 =	sshll.u32 @!p1 s9, $0x4  }
0x1c: {  	s14 =	simm.s32 @!p1 $0x40;
	s12 =	sshll.u32 @!p1 s12, $0xD;
	s13 =	sand.u32 @!p1 $0x1FFFF0, s13  }
0x1d: {  	s15 =	simm.s32 @!p1 $0x80;
	s12 =	sand.u32 @!p1 $0x2000, s12;
	s13 =	sadd.s32 @!p1 s4, s13  }
0x1e: {  	[tilespmem:s12], [sflag:$0x1] =	stream.strided.gather @!p1 [hbm4b:s13+s14], $0x2000, s15, s14, $0x38;
	[tilespmem:$0x8080] =	vst v63  }
0x1f: {  	p1 =	sge.u32 s31, s6  }
.Ltmp2:
0x20: {  	_ = 	snop;
	(pc) =	sbr.rel @p1 .LBB1_5-.Ltmp2, $1  }
0x21: {  	_ =	sdelay $0x3  }
0x22: {  	s12 =	simm.s32 $0x1  }
0x23: {  	_ =	swait.ge [sflag:s5], $0x2000;
	s12 =	simm.s32 @!p0 $0x0  }
0x24: {  	[sflag:s5] =	ssyncset.done $0x0;
	s13 =	sshll.u32 s12, $0xD  }
0x25: {  	[sflag:s5] =	ssyncadd.s32 $0xFFFFE000;
	s16 =	sor.u32 $0x20, s13  }
0x26: {  	s12 =	smul.u32 $0x8100, s12;
	v3 =	vld [tilespmem:s16+$0x10]  }
0x27: {  	s30 =	sand.u32 $0x1, s10;
	v2 =	vld [tilespmem:s16+$0xFFFFFFF0]  }
0x28: {  	s13 =	smul.u32 $0x8100, s30;
	s12 =	sshrl.u32 s12, $0x2;
	v0 =	vld [tilespmem:s16+$0x0]  }
0x29: {  	v1 =	vld [tilespmem:s16+$0xFFFFFFE0];
	s14 =	sor.u32 $0x4000, s12  }
0x2a: {  	s31 =	sshrl.u32 s13, $0x2;
	s13 =	sadd.s32 $0x0, s14  }
0x2b: {  	s15 =	simm.s32 $0x4;
	s16 =	sadd.s32 $0x40, s16;
	s12 =	sor.u32 $0x4000, s31;
	[tilespmem:s13+$0x1830 ss:$0x81] =	vst.msk $0xffff, v3  }
.LBB1_3:
0x2c: {  	v3 =	vld [tilespmem:s16+$0x10];
	p1 =	sne.s32 s15, $0x1FC;
	[tilespmem:s13+$0x810 ss:$0x81] =	vst.msk $0xffff, v2;
	s17 =	smov.u32 s15;
	s15 =	sadd.s32 $0x4, s15  }
.Ltmp3:
0x2d: {  	v2 =	vld [tilespmem:s16+$0xFFFFFFF0];
	[tilespmem:s13+$0x1020 ss:$0x81] =	vst.msk $0xffff, v0;
	(pc) =	sbr.rel @p1 .LBB1_3-.Ltmp3, $4  }
0x2e: {  	v0 =	vld [tilespmem:s16+$0x0];
	[tilespmem:s13+$0x0 ss:$0x81] =	vst.msk $0xffff, v1  }
0x2f: {  	s13 =	sshra.s32 s17, $0x2;
	v1 =	vld [tilespmem:s16+$0xFFFFFFE0]  }
0x30: {  	s13 =	sadd.s32 s13, s14  }
0x31: {  	s16 =	sadd.s32 $0x40, s16;
	[tilespmem:s13+$0x1830 ss:$0x81] =	vst.msk $0xffff, v3  }
.Ltmp4:
0x32: {  	_ = 	snop;
	(pc) =	sbr.rel .LBB1_4-.Ltmp4, $1  }
0x33: {  	_ =	sdelay $0x3  }
.LBB1_6:
0x34: {  	_ =	sfence.sel $0x180000  }
0x35: {  	s2 =	simm.s32 $0x1;
	[bflag:$0x0] =	sbarrier.arrive $0xFFFF  }
0x36: {  	s31 =	simm.s32 $0x2;
	[sflag:s2] =	ssyncpa.u1 $0x1  }
0x37: {  	[sflag:s31] =	ssyncpa.u1 $0x1  }
0x38: {  	p0 =	sne.s32 s0, $0x0;
	_ =	strace $0x9000004A  }
0x39: {  	s0 =	sadd.s32 @!p0 $0x100000, s1;
	[bflag:$0x2] =	sbarrier.arrive $0xFFFF  }
0x3a: {  	[sflag:s0] =	ssyncadd.tile.s32 @!p0 $0x1;
	_ =	shalt  }
.Lfunc_end1:
_tile_overlayer_lowered:
.L_overlay_start_2:
0x3b: {  	(tag) =	ssettag $0x2  }
0x3c: {  	s0 =	rddreg [dreg:$0x0];
	s2 =	stileid.u32  }
0x3d: {  	s1 =	rddreg [dreg:$0x1];
	p0 =	sne.s32 s2, $0x0  }
0x3e: {  	s3 =	rddreg [dreg:$0x2];
	[bflag:$0x3] =	sbarrier.arrive $0xFFFF;
	s2 =	simm.s32 @!p0 $0x1C01  }
0x3f: {  	[timem:s3], [sflag:s2] =	dma.local @!p0 [hbm:s0], s1  }
0x40: {  	s0 =	simm.s32 @!p0 $0x1  }
0x41: {  	_ =	swait.ge @!p0 [sflag:s0], s1  }
0x42: {  	s1 =	ssub.s32 @!p0 $0x0, s1;
	[sflag:s0] =	ssyncset.done @!p0 $0x0  }
0x43: {  	[sflag:s0] =	ssyncadd.s32 @!p0 s1  }
0x44: {  	[bflag:$0x3] =	sbarrier.arrive $0xFFFF  }
0x45: {  	_ =	shalt  }

</sc_bundles>
